<compile_context>
chip_gen: v7x
topology: tpu7x:2x2x1
jax: 0.10.2.dev20260603
libtpu: 0.0.44.dev20260713+nightly
codegen_flags: <defaults>
</compile_context>

<pallas_src>
import jax
import jax.numpy as jnp
from jax import lax
from jax.experimental import pallas as pl

T_TOK = 16384
D_IN = 256
H_DIM = 512
NSEG = 16
BLK = 2048


def _rne_split(a):
    hi = a.astype(jnp.bfloat16)
    lo = (a - hi.astype(jnp.float32)).astype(jnp.bfloat16)
    return hi, lo


def _dot3(ah, al, bh, bl):
    d = lambda u, v: jnp.dot(u, v, preferred_element_type=jnp.float32)
    return d(ah, bh) + (d(ah, bl) + d(al, bh))


def _layer_body(xh_ref, xl_ref, wh_ref, wl_ref, b_ref, o_ref):
    o_ref[...] = jnp.maximum(
        _dot3(xh_ref[...], xl_ref[...], wh_ref[...], wl_ref[...])
        + b_ref[...], 0.0)


def _layer1_body(xh_ref, xl_ref, wh_ref, wl_ref, b_ref, oh_ref, ol_ref):
    h1 = jnp.maximum(
        _dot3(xh_ref[...], xl_ref[...], wh_ref[...], wl_ref[...])
        + b_ref[...], 0.0)
    hh = h1.astype(jnp.bfloat16)
    oh_ref[...] = hh
    ol_ref[...] = (h1 - hh.astype(jnp.float32)).astype(jnp.bfloat16)


def _layer1(xh, xl, wh, wl, b):
    n, k = xh.shape
    m = wh.shape[1]
    return pl.pallas_call(
        _layer1_body,
        grid=(n // BLK,),
        in_specs=[
            pl.BlockSpec((BLK, k), lambda i: (i, 0)),
            pl.BlockSpec((BLK, k), lambda i: (i, 0)),
            pl.BlockSpec((k, m), lambda i: (0, 0)),
            pl.BlockSpec((k, m), lambda i: (0, 0)),
            pl.BlockSpec((1, m), lambda i: (0, 0)),
        ],
        out_specs=[
            pl.BlockSpec((BLK, m), lambda i: (i, 0)),
            pl.BlockSpec((BLK, m), lambda i: (i, 0)),
        ],
        out_shape=[
            jax.ShapeDtypeStruct((n, m), jnp.bfloat16),
            jax.ShapeDtypeStruct((n, m), jnp.bfloat16),
        ],
    )(xh, xl, wh, wl, b.reshape(1, m))


def _layer(xh, xl, wh, wl, b):
    n, k = xh.shape
    m = wh.shape[1]
    return pl.pallas_call(
        _layer_body,
        grid=(n // BLK,),
        in_specs=[
            pl.BlockSpec((BLK, k), lambda i: (i, 0)),
            pl.BlockSpec((BLK, k), lambda i: (i, 0)),
            pl.BlockSpec((k, m), lambda i: (0, 0)),
            pl.BlockSpec((k, m), lambda i: (0, 0)),
            pl.BlockSpec((1, m), lambda i: (0, 0)),
        ],
        out_specs=pl.BlockSpec((BLK, m), lambda i: (i, 0)),
        out_shape=jax.ShapeDtypeStruct((n, m), jnp.float32),
    )(xh, xl, wh, wl, b.reshape(1, m))


def kernel(flat, cu_seqlens, W1, b1, W2, b2, W3, b3):
    n_tok = flat.shape[0]
    token_ids = jnp.arange(n_tok, dtype=cu_seqlens.dtype)
    seg = jnp.searchsorted(cu_seqlens, token_ids, side="right") - 1
    h1h, h1l = _layer1(*_rne_split(flat), *_rne_split(W1), b1)
    h2 = _layer(h1h, h1l, *_rne_split(W2), b2)
    ch, cl = _rne_split(h2)
    w3h, w3l = _rne_split(W3)
    d = lambda u, v: jnp.dot(u, v, preferred_element_type=jnp.float32)
    c = d(ch, w3h) + (d(ch, w3l) + d(cl, w3h)) + b3
    return jax.ops.segment_sum(c, seg, num_segments=NSEG)

# --- scband reference (transcript-rebuilt; emitter-appended) ---
"""Pipeline reference for scband-reduce-regressor-36799279792871 (READ-ONLY COPY).

The authoritative reference and input builder live on the scoring server;
editing this copy changes nothing except your own understanding.
"""

import jax, jax.numpy as jnp
import numpy as np

B = 16
T = 16384
D = 256
H = 512

def setup_inputs(seed: int = 0) -> dict:
    key = jax.random.key(seed)
    k1, k2, k3, k4, k5 = jax.random.split(key, 5)
    flat = jax.random.normal(k1, (T, D), dtype=jnp.float32)
    interior = jnp.sort(jax.random.randint(k2, (B - 1,), 0, T, dtype=jnp.int32))
    cu_seqlens = jnp.concatenate([
        jnp.zeros((1,), dtype=jnp.int32),
        interior,
        jnp.full((1,), T, dtype=jnp.int32),
    ])
    # Subnet parameters: MLP D -> H -> H -> 1 applied to every subinstance row
    W1 = jax.random.normal(k3, (D, H), dtype=jnp.float32) * (1.0 / np.sqrt(D))
    b1 = jnp.zeros((H,), dtype=jnp.float32)
    W2 = jax.random.normal(k4, (H, H), dtype=jnp.float32) * (1.0 / np.sqrt(H))
    b2 = jnp.zeros((H,), dtype=jnp.float32)
    W3 = jax.random.normal(k5, (H, 1), dtype=jnp.float32) * (1.0 / np.sqrt(H))
    b3 = jnp.zeros((1,), dtype=jnp.float32)
    return {"flat": flat, "cu_seqlens": cu_seqlens, "W1": W1, "b1": b1, "W2": W2, "b2": b2, "W3": W3, "b3": b3}


def reference(flat, cu_seqlens, W1, b1, W2, b2, W3, b3):
    # ReduceRegressor: the same subnet is applied to every subinstance row of the
    # ragged tensor (here flattened to [total_tokens, N_features]), then the
    # per-row contributions are reduced (summed) over the ragged dimension,
    # yielding one label-like output per instance.
    n_tok = flat.shape[0]
    num_segments = cu_seqlens.shape[0] - 1
    token_ids = jnp.arange(n_tok, dtype=cu_seqlens.dtype)
    segment_ids = jnp.searchsorted(cu_seqlens, token_ids, side="right") - 1
    # subnet forward on all subinstance rows at once
    h = jax.nn.relu(flat @ W1 + b1)
    h = jax.nn.relu(h @ W2 + b2)
    contribs = h @ W3 + b3  # [total_tokens, 1]
    # reduction_func: sum over ragged dim -> [N_instances, 1]
    out = jax.ops.segment_sum(contribs, segment_ids, num_segments=num_segments)
    return out

if __name__ == "__main__":
    import jax
    _d = setup_inputs()
    print(jax.jit(kernel)(*tuple(_d.values())))

</pallas_src>

<mosaic_0001>
module attributes {stable_mosaic.version = 14 : i64} {
  func.func @_layer1_body(%arg0: i32, %arg1: memref<2048x256xbf16, #tpu.memory_space<vmem>>, %arg2: memref<2048x256xbf16, #tpu.memory_space<vmem>>, %arg3: memref<256x512xbf16, #tpu.memory_space<vmem>>, %arg4: memref<256x512xbf16, #tpu.memory_space<vmem>>, %arg5: memref<1x512xf32, #tpu.memory_space<vmem>>, %arg6: memref<2048x512xbf16, #tpu.memory_space<vmem>>, %arg7: memref<2048x512xbf16, #tpu.memory_space<vmem>>) attributes {dimension_semantics = [#tpu.dimension_semantics<arbitrary>], iteration_bounds = array<i64: 8>, scalar_prefetch = 0 : i64, scratch_operands = 0 : i64, tpu.core_type = #tpu.core_type<tc>, window_params = [{transform_indices = @transform_0, window_bounds = array<i64: 2048, 256>}, {transform_indices = @transform_1, window_bounds = array<i64: 2048, 256>}, {pipeline_mode = #tpu.pipeline_mode<synchronous>, transform_indices = @transform_2, window_bounds = array<i64: 256, 512>}, {pipeline_mode = #tpu.pipeline_mode<synchronous>, transform_indices = @transform_3, window_bounds = array<i64: 256, 512>}, {pipeline_mode = #tpu.pipeline_mode<synchronous>, transform_indices = @transform_4, window_bounds = array<i64: 1, 512>}, {transform_indices = @transform_5, window_bounds = array<i64: 2048, 512>}, {transform_indices = @transform_6, window_bounds = array<i64: 2048, 512>}]} {
    %get3A = arith.constant 0 : index
    %get3A_0 = arith.constant 0 : index
    %get3A_1 = vector.load %arg1[%get3A, %get3A_0] : memref<2048x256xbf16, #tpu.memory_space<vmem>>, vector<2048x256xbf16>
    %get3A_2 = arith.constant 0 : index
    %get3A_3 = arith.constant 0 : index
    %get3A_4 = vector.load %arg2[%get3A_2, %get3A_3] : memref<2048x256xbf16, #tpu.memory_space<vmem>>, vector<2048x256xbf16>
    %get3A_5 = arith.constant 0 : index
    %get3A_6 = arith.constant 0 : index
    %get3A_7 = vector.load %arg3[%get3A_5, %get3A_6] : memref<256x512xbf16, #tpu.memory_space<vmem>>, vector<256x512xbf16>
    %get3A_8 = arith.constant 0 : index
    %get3A_9 = arith.constant 0 : index
    %get3A_10 = vector.load %arg4[%get3A_8, %get3A_9] : memref<256x512xbf16, #tpu.memory_space<vmem>>, vector<256x512xbf16>
    %dot_general3A = arith.constant dense<0.000000e+00> : vector<2048x512xf32>
    %dot_general3A_11 = tpu.matmul %get3A_1, %get3A_7, %dot_general3A {dimension_numbers = #tpu.dot_dimension_numbers<[1], [0], [0], [1], [0, 0, 1, 1], [], []>, transpose_lhs_hint = false} : vector<2048x256xbf16>, vector<256x512xbf16>, vector<2048x512xf32> -> vector<2048x512xf32>
    %dot_general3A_12 = arith.constant dense<0.000000e+00> : vector<2048x512xf32>
    %dot_general3A_13 = tpu.matmul %get3A_1, %get3A_10, %dot_general3A_12 {dimension_numbers = #tpu.dot_dimension_numbers<[1], [0], [0], [1], [0, 0, 1, 1], [], []>, transpose_lhs_hint = false} : vector<2048x256xbf16>, vector<256x512xbf16>, vector<2048x512xf32> -> vector<2048x512xf32>
    %dot_general3A_14 = arith.constant dense<0.000000e+00> : vector<2048x512xf32>
    %dot_general3A_15 = tpu.matmul %get3A_4, %get3A_7, %dot_general3A_14 {dimension_numbers = #tpu.dot_dimension_numbers<[1], [0], [0], [1], [0, 0, 1, 1], [], []>, transpose_lhs_hint = false} : vector<2048x256xbf16>, vector<256x512xbf16>, vector<2048x512xf32> -> vector<2048x512xf32>
    %add3A = arith.addf %dot_general3A_13, %dot_general3A_15 : vector<2048x512xf32>
    %add3A_16 = arith.addf %dot_general3A_11, %add3A : vector<2048x512xf32>
    %get3A_17 = arith.constant 0 : index
    %get3A_18 = arith.constant 0 : index
    %get3A_19 = vector.load %arg5[%get3A_17, %get3A_18] : memref<1x512xf32, #tpu.memory_space<vmem>>, vector<1x512xf32>
    %add3A_20 = vector.broadcast %get3A_19 : vector<1x512xf32> to vector<2048x512xf32>
    %add3A_21 = arith.addf %add3A_16, %add3A_20 : vector<2048x512xf32>
    %max3A = arith.constant 0.000000e+00 : f32
    %max3A_22 = vector.broadcast %max3A : f32 to vector<2048x512xf32>
    %max3A_23 = arith.maximumf %add3A_21, %max3A_22 : vector<2048x512xf32>
    %convert_element_type3A = arith.truncf %max3A_23 : vector<2048x512xf32> to vector<2048x512xbf16>
    %swap3A = arith.constant 0 : index
    %swap3A_24 = arith.constant 0 : index
    %swap3A_25 = vector.load %arg6[%swap3A, %swap3A_24] : memref<2048x512xbf16, #tpu.memory_space<vmem>>, vector<2048x512xbf16>
    tpu.vector_store %arg6[%swap3A, %swap3A_24], %convert_element_type3A {strides = array<i32>} : memref<2048x512xbf16, #tpu.memory_space<vmem>>, vector<2048x512xbf16>,
    %convert_element_type3A_26 = arith.extf %convert_element_type3A : vector<2048x512xbf16> to vector<2048x512xf32>
    %sub3A = arith.subf %max3A_23, %convert_element_type3A_26 : vector<2048x512xf32>
    %convert_element_type3A_27 = arith.truncf %sub3A : vector<2048x512xf32> to vector<2048x512xbf16>
    %swap3A_28 = arith.constant 0 : index
    %swap3A_29 = arith.constant 0 : index
    %swap3A_30 = vector.load %arg7[%swap3A_28, %swap3A_29] : memref<2048x512xbf16, #tpu.memory_space<vmem>>, vector<2048x512xbf16>
    tpu.vector_store %arg7[%swap3A_28, %swap3A_29], %convert_element_type3A_27 {strides = array<i32>} : memref<2048x512xbf16, #tpu.memory_space<vmem>>, vector<2048x512xbf16>,
    return
  }
  func.func @transform_0(%arg0: i32) -> (i32, i32) {
    %c0_i32 = arith.constant 0 : i32
    %c0_i32_0 = arith.constant 0 : i32
    return %arg0, %c0_i32 : i32, i32
  }
  func.func @transform_1(%arg0: i32) -> (i32, i32) {
    %c0_i32 = arith.constant 0 : i32
    %c0_i32_0 = arith.constant 0 : i32
    return %arg0, %c0_i32 : i32, i32
  }
  func.func @transform_2(%arg0: i32) -> (i32, i32) {
    %c0_i32 = arith.constant 0 : i32
    %c0_i32_0 = arith.constant 0 : i32
    %c0_i32_1 = arith.constant 0 : i32
    return %c0_i32, %c0_i32_0 : i32, i32
  }
  func.func @transform_3(%arg0: i32) -> (i32, i32) {
    %c0_i32 = arith.constant 0 : i32
    %c0_i32_0 = arith.constant 0 : i32
    %c0_i32_1 = arith.constant 0 : i32
    return %c0_i32, %c0_i32_0 : i32, i32
  }
  func.func @transform_4(%arg0: i32) -> (i32, i32) {
    %c0_i32 = arith.constant 0 : i32
    %c0_i32_0 = arith.constant 0 : i32
    %c0_i32_1 = arith.constant 0 : i32
    return %c0_i32, %c0_i32_0 : i32, i32
  }
  func.func @transform_5(%arg0: i32) -> (i32, i32) {
    %c0_i32 = arith.constant 0 : i32
    %c0_i32_0 = arith.constant 0 : i32
    return %arg0, %c0_i32 : i32, i32
  }
  func.func @transform_6(%arg0: i32) -> (i32, i32) {
    %c0_i32 = arith.constant 0 : i32
    %c0_i32_0 = arith.constant 0 : i32
    return %arg0, %c0_i32 : i32, i32
  }
}

module attributes {stable_mosaic.version = 14 : i64} {
  func.func @_layer_body(%arg0: i32, %arg1: memref<2048x512xbf16, #tpu.memory_space<vmem>>, %arg2: memref<2048x512xbf16, #tpu.memory_space<vmem>>, %arg3: memref<512x512xbf16, #tpu.memory_space<vmem>>, %arg4: memref<512x512xbf16, #tpu.memory_space<vmem>>, %arg5: memref<1x512xf32, #tpu.memory_space<vmem>>, %arg6: memref<2048x512xf32, #tpu.memory_space<vmem>>) attributes {dimension_semantics = [#tpu.dimension_semantics<arbitrary>], iteration_bounds = array<i64: 8>, scalar_prefetch = 0 : i64, scratch_operands = 0 : i64, tpu.core_type = #tpu.core_type<tc>, window_params = [{transform_indices = @transform_0, window_bounds = array<i64: 2048, 512>}, {transform_indices = @transform_1, window_bounds = array<i64: 2048, 512>}, {pipeline_mode = #tpu.pipeline_mode<synchronous>, transform_indices = @transform_2, window_bounds = array<i64: 512, 512>}, {pipeline_mode = #tpu.pipeline_mode<synchronous>, transform_indices = @transform_3, window_bounds = array<i64: 512, 512>}, {pipeline_mode = #tpu.pipeline_mode<synchronous>, transform_indices = @transform_4, window_bounds = array<i64: 1, 512>}, {transform_indices = @transform_5, window_bounds = array<i64: 2048, 512>}]} {
    %get3A = arith.constant 0 : index
    %get3A_0 = arith.constant 0 : index
    %get3A_1 = vector.load %arg1[%get3A, %get3A_0] : memref<2048x512xbf16, #tpu.memory_space<vmem>>, vector<2048x512xbf16>
    %get3A_2 = arith.constant 0 : index
    %get3A_3 = arith.constant 0 : index
    %get3A_4 = vector.load %arg2[%get3A_2, %get3A_3] : memref<2048x512xbf16, #tpu.memory_space<vmem>>, vector<2048x512xbf16>
    %get3A_5 = arith.constant 0 : index
    %get3A_6 = arith.constant 0 : index
    %get3A_7 = vector.load %arg3[%get3A_5, %get3A_6] : memref<512x512xbf16, #tpu.memory_space<vmem>>, vector<512x512xbf16>
    %get3A_8 = arith.constant 0 : index
    %get3A_9 = arith.constant 0 : index
    %get3A_10 = vector.load %arg4[%get3A_8, %get3A_9] : memref<512x512xbf16, #tpu.memory_space<vmem>>, vector<512x512xbf16>
    %dot_general3A = arith.constant dense<0.000000e+00> : vector<2048x512xf32>
    %dot_general3A_11 = tpu.matmul %get3A_1, %get3A_7, %dot_general3A {dimension_numbers = #tpu.dot_dimension_numbers<[1], [0], [0], [1], [0, 0, 1, 1], [], []>, transpose_lhs_hint = false} : vector<2048x512xbf16>, vector<512x512xbf16>, vector<2048x512xf32> -> vector<2048x512xf32>
    %dot_general3A_12 = arith.constant dense<0.000000e+00> : vector<2048x512xf32>
    %dot_general3A_13 = tpu.matmul %get3A_1, %get3A_10, %dot_general3A_12 {dimension_numbers = #tpu.dot_dimension_numbers<[1], [0], [0], [1], [0, 0, 1, 1], [], []>, transpose_lhs_hint = false} : vector<2048x512xbf16>, vector<512x512xbf16>, vector<2048x512xf32> -> vector<2048x512xf32>
    %dot_general3A_14 = arith.constant dense<0.000000e+00> : vector<2048x512xf32>
    %dot_general3A_15 = tpu.matmul %get3A_4, %get3A_7, %dot_general3A_14 {dimension_numbers = #tpu.dot_dimension_numbers<[1], [0], [0], [1], [0, 0, 1, 1], [], []>, transpose_lhs_hint = false} : vector<2048x512xbf16>, vector<512x512xbf16>, vector<2048x512xf32> -> vector<2048x512xf32>
    %add3A = arith.addf %dot_general3A_13, %dot_general3A_15 : vector<2048x512xf32>
    %add3A_16 = arith.addf %dot_general3A_11, %add3A : vector<2048x512xf32>
    %get3A_17 = arith.constant 0 : index
    %get3A_18 = arith.constant 0 : index
    %get3A_19 = vector.load %arg5[%get3A_17, %get3A_18] : memref<1x512xf32, #tpu.memory_space<vmem>>, vector<1x512xf32>
    %add3A_20 = vector.broadcast %get3A_19 : vector<1x512xf32> to vector<2048x512xf32>
    %add3A_21 = arith.addf %add3A_16, %add3A_20 : vector<2048x512xf32>
    %max3A = arith.constant 0.000000e+00 : f32
    %max3A_22 = vector.broadcast %max3A : f32 to vector<2048x512xf32>
    %max3A_23 = arith.maximumf %add3A_21, %max3A_22 : vector<2048x512xf32>
    %swap3A = arith.constant 0 : index
    %swap3A_24 = arith.constant 0 : index
    %swap3A_25 = vector.load %arg6[%swap3A, %swap3A_24] : memref<2048x512xf32, #tpu.memory_space<vmem>>, vector<2048x512xf32>
    tpu.vector_store %arg6[%swap3A, %swap3A_24], %max3A_23 {strides = array<i32>} : memref<2048x512xf32, #tpu.memory_space<vmem>>, vector<2048x512xf32>,
    return
  }
  func.func @transform_0(%arg0: i32) -> (i32, i32) {
    %c0_i32 = arith.constant 0 : i32
    %c0_i32_0 = arith.constant 0 : i32
    return %arg0, %c0_i32 : i32, i32
  }
  func.func @transform_1(%arg0: i32) -> (i32, i32) {
    %c0_i32 = arith.constant 0 : i32
    %c0_i32_0 = arith.constant 0 : i32
    return %arg0, %c0_i32 : i32, i32
  }
  func.func @transform_2(%arg0: i32) -> (i32, i32) {
    %c0_i32 = arith.constant 0 : i32
    %c0_i32_0 = arith.constant 0 : i32
    %c0_i32_1 = arith.constant 0 : i32
    return %c0_i32, %c0_i32_0 : i32, i32
  }
  func.func @transform_3(%arg0: i32) -> (i32, i32) {
    %c0_i32 = arith.constant 0 : i32
    %c0_i32_0 = arith.constant 0 : i32
    %c0_i32_1 = arith.constant 0 : i32
    return %c0_i32, %c0_i32_0 : i32, i32
  }
  func.func @transform_4(%arg0: i32) -> (i32, i32) {
    %c0_i32 = arith.constant 0 : i32
    %c0_i32_0 = arith.constant 0 : i32
    %c0_i32_1 = arith.constant 0 : i32
    return %c0_i32, %c0_i32_0 : i32, i32
  }
  func.func @transform_5(%arg0: i32) -> (i32, i32) {
    %c0_i32 = arith.constant 0 : i32
    %c0_i32_0 = arith.constant 0 : i32
    return %arg0, %c0_i32 : i32, i32
  }
}

</mosaic_0001>

<sc_bundles>
// kernel: scatter_offload_async_start
scs
__scs_entry_jumppad:
0x0: {  	(pc) =	sbr.rel $0x88, $3  }
0x1: {  	(tag) =	ssettag $0x0;
	lr =	simm.s32 $0x1  }
0x2: {  	[smem:$0x3F99] =	sst lr;
	_ =	strace $0xD0000000  }
0x3: {  	_ = 	snop  }
0x4: {  	_ = 	snop  }
0x5: {  	_ = 	snop  }
0x6: {  	_ = 	snop  }
0x7: {  	_ = 	snop  }
__scs_overlays_trampoline_lowered:
0x8: {  	[smem:$0x3FA8] =	sst s0  }
0x9: {  	[smem:$0x3FA9] =	sst s1  }
0xa: {  	[smem:$0x3FAA] =	sst s2  }
0xb: {  	[smem:$0x3FAB] =	sst s3  }
0xc: {  	[smem:$0x3FAC] =	sst s4  }
0xd: {  	[smem:$0x3FAD] =	sst s5  }
0xe: {  	[smem:$0x3FAE] =	sst s6  }
0xf: {  	[smem:$0x3FAF] =	sst s7  }
0x10: {  	[smem:$0x3FB0] =	sst s8  }
0x11: {  	[smem:$0x3FB1] =	sst s9;
	s0 =	simm.s32 @!p0 $0x0  }
0x12: {  	s1 =	sld [smem:$0x3F97];
	s0 =	simm.s32 @p0 $0x1  }
0x13: {  	[smem:$0x3FB2] =	sst s0;
	s0 =	simm.s32 @!p1 $0x0  }
0x14: {  	s2 =	sld [smem:$0x3F96];
	s0 =	simm.s32 @p1 $0x1  }
0x15: {  	[smem:$0x3FB3] =	sst s0;
	s0 =	simm.s32 @!p2 $0x0  }
0x16: {  	s3 =	sld [smem:$0x3FDB];
	s0 =	simm.s32 @p2 $0x1  }
0x17: {  	s4 =	simm.s32 $0x1BF5;
	[smem:$0x3FB5] =	sst s0  }
0x18: {  	s0 =	sld [smem:$0x3F98];
	_ =	swait.ge [sflag:s4], $0x0  }
0x19: {  	s7 =	sld [smem:$0x3F99]  }
0x1a: {  	s8 =	sadd.s32 $0xFFFFE003, lr  }
0x1b: {  	s9 =	sadd.s32 $0xFFFFFEF7, lr;
	s5 =	simm.s32 $0xFFFFFFFF;
	p2 =	slt.u32 s8, $0xFFFFF086  }
0x1c: {  	p1 =	slt.u32 s9, $0xF7A;
	s5 =	simm.s32 @!p2 $0x0  }
0x1d: {  	s5 =	simm.s32 @p1 $0x1;
	p0 =	seq.s32 s7, s2  }
0x1e: {  	s7 =	smul.u32 @!p0 $0xF7A, s2;
	p2 =	seq.s32 @!p0 s5, $0x0  }
0x1f: {  	s9 =	smul.u32 $0xF7A, s1;
	s8 =	simm.s32 @!p0 $0x1BF5;
	p2 =	por !p2, p0  }
0x20: {  	[sflag:s8] =	ssyncset.s32 @!p0 $0xFFFFF086;
	s6 =	sadd.s32 @!p0 s3, s7;
	s7 =	simm.s32 @!p0 $0x108  }
0x21: {  	s3 =	sadd.s32 s3, s9;
	s6 =	sadd.s32 @!p0 $0x88, s6;
	s7 =	simm.s32 @p2 $0x1082  }
0x22: {  	[simem:s7], [sflag:s8] =	dma.local @!p0 [hbm:s6], $0xF7A  }
0x23: {  	s9 =	sor.u32 $0xD0000000, s2;
	s6 =	simm.s32 $0x108;
	_ =	swait.ge @!p0 [sflag:s8], $0x0  }
0x24: {  	s3 =	sadd.s32 $0x88, s3;
	s6 =	simm.s32 @!p1 $0x1082;
	[sflag:s4] =	ssyncset.s32 $0xFFFFF086  }
0x25: {  	[simem:s6], [sflag:s4] =	dma.local [hbm:s3], $0xF7A  }
0x26: {  	[smem:$0x3F99] =	sst s1;
	(tag) =	ssettag s2;
	_ =	strace s9  }
0x27: {  	s1 =	sld [smem:$0x3FA9]  }
0x28: {  	s2 =	sld [smem:$0x3FAA]  }
0x29: {  	s4 =	sld [smem:$0x3FAC]  }
0x2a: {  	p0 =	seq.s32 s5, $0x0;
	s5 =	sld [smem:$0x3FAD]  }
0x2b: {  	s6 =	sld [smem:$0x3FAE]  }
0x2c: {  	s7 =	sld [smem:$0x3FAF]  }
0x2d: {  	s3 =	simm.s32 $0x108;
	s8 =	sld [smem:$0x3FB0]  }
0x2e: {  	s3 =	simm.s32 @!p0 $0x1082;
	s9 =	sld [smem:$0x3FB1]  }
0x2f: {  	lr =	sadd.s32 s0, s3;
	s0 =	sld [smem:$0x3FA8]  }
0x30: {  	s3 =	sld [smem:$0x3FAB]  }
0x31: {  	[smem:$0x3FB4] =	sst s10  }
0x32: {  	s10 =	sld [smem:$0x3FB2];
	_ =	sdelay $0x3  }
0x33: {  	p0 =	seq.s32 s10, $0x1;
	s10 =	sld [smem:$0x3FB4];
	_ =	sdelay $0x3  }
0x34: {  	[smem:$0x3FB4] =	sst s10  }
0x35: {  	s10 =	sld [smem:$0x3FB3];
	_ =	sdelay $0x3  }
0x36: {  	p1 =	seq.s32 s10, $0x1;
	s10 =	sld [smem:$0x3FB4];
	_ =	sdelay $0x3  }
0x37: {  	[smem:$0x3FB4] =	sst s10  }
0x38: {  	s10 =	sld [smem:$0x3FB5]  }
0x39: {  	_ = 	snop;
	(pc) =	sbr.ind lr, $3  }
0x3a: {  	_ = 	snop  }
0x3b: {  	_ = 	snop  }
0x3c: {  	p2 =	seq.s32 s10, $0x1;
	s10 =	sld [smem:$0x3FB4]  }
0x3d: {  	_ =	shalt  }
0x3e: {  	_ =	shalt  }
0x3f: {  	_ =	shalt  }
0x40: {  	_ =	shalt  }
0x41: {  	_ =	shalt  }
0x42: {  	_ =	shalt  }
0x43: {  	_ =	shalt  }
0x44: {  	_ =	shalt  }
0x45: {  	_ =	shalt  }
0x46: {  	_ =	shalt  }
0x47: {  	_ =	shalt  }
0x48: {  	_ =	shalt  }
0x49: {  	_ =	shalt  }
0x4a: {  	_ =	shalt  }
0x4b: {  	_ =	shalt  }
0x4c: {  	_ =	shalt  }
0x4d: {  	_ =	shalt  }
0x4e: {  	_ =	shalt  }
0x4f: {  	_ =	shalt  }
0x50: {  	_ =	shalt  }
0x51: {  	_ =	shalt  }
0x52: {  	_ =	shalt  }
0x53: {  	_ =	shalt  }
0x54: {  	_ =	shalt  }
0x55: {  	_ =	shalt  }
0x56: {  	_ =	shalt  }
0x57: {  	_ =	shalt  }
0x58: {  	_ =	shalt  }
0x59: {  	_ =	shalt  }
0x5a: {  	_ =	shalt  }
0x5b: {  	_ =	shalt  }
0x5c: {  	_ =	shalt  }
0x5d: {  	_ =	shalt  }
0x5e: {  	_ =	shalt  }
0x5f: {  	_ =	shalt  }
0x60: {  	_ =	shalt  }
0x61: {  	_ =	shalt  }
0x62: {  	_ =	shalt  }
0x63: {  	_ =	shalt  }
0x64: {  	_ =	shalt  }
0x65: {  	_ =	shalt  }
0x66: {  	_ =	shalt  }
0x67: {  	_ =	shalt  }
0x68: {  	_ =	shalt  }
0x69: {  	_ =	shalt  }
0x6a: {  	_ =	shalt  }
0x6b: {  	_ =	shalt  }
0x6c: {  	_ =	shalt  }
0x6d: {  	_ =	shalt  }
0x6e: {  	_ =	shalt  }
0x6f: {  	_ =	shalt  }
0x70: {  	_ =	shalt  }
0x71: {  	_ =	shalt  }
0x72: {  	_ =	shalt  }
0x73: {  	_ =	shalt  }
0x74: {  	_ =	shalt  }
0x75: {  	_ =	shalt  }
0x76: {  	_ =	shalt  }
0x77: {  	_ =	shalt  }
0x78: {  	_ =	shalt  }
0x79: {  	_ =	shalt  }
0x7a: {  	_ =	shalt  }
0x7b: {  	_ =	shalt  }
0x7c: {  	_ =	shalt  }
0x7d: {  	_ =	shalt  }
0x7e: {  	_ =	shalt  }
0x7f: {  	_ =	shalt  }
0x80: {  	_ =	shalt  }
0x81: {  	_ =	shalt  }
0x82: {  	_ =	shalt  }
0x83: {  	_ =	shalt  }
0x84: {  	_ =	shalt  }
0x85: {  	_ =	shalt  }
0x86: {  	_ =	shalt  }
0x87: {  	_ =	shalt  }
.Lfunc_end0:
.L_simem_size_0:
called_computation_lowered:
.L_overlay_start_0:
0x88: {  	s0 =	sld [smem:$0x3FD9]  }
0x89: {  	s1 =	sld [smem:$0x3FFE];
	_ =	sdelay $0x3  }
0x8a: {  	s0 =	sadd.s32 s1, s0  }
0x8b: {  	[smem:$0x3FC0] =	sst s0  }
0x8c: {  	_ = 	snop  }
0x8d: {  	s0 =	sld [smem:$0x3FD0];
	(tm) =	ssettm $0x1  }
0x8e: {  	s16 =	sld [smem:$0x3FFB];
	_ =	sdelay $0x3  }
0x8f: {  	_ =	strace s16  }
0x90: {  	s1 =	sld [smem:$0x3FFC];
	_ =	sdelay $0x3  }
0x91: {  	_ =	strace s1  }
0x92: {  	s1 =	sld [smem:$0x3FFD];
	_ =	sdelay $0x3  }
0x93: {  	_ =	strace s1  }
0x94: {  	_ =	strace $0x8FFFFFFF  }
0x95: {  	s17 =	sld [smem:$0x3FDB];
	_ =	sdelay $0x1  }
0x96: {  	s2 =	simm.s32 $_scs_section_size  }
0x97: {  	s3 =	simm.s32 $_size__tile_overlayer_lowered;
	s4 =	simm.s32 $_tile_overlayer_lowered  }
0x98: {  	s20 =	simm.s32 $0x1BFF;
	s19 =	sshll.u32 s4, $0x1;
	s1 =	sadd.s32 s2, s17  }
0x99: {  	s5 =	simm.s32 $0x0;
	s18 =	sshll.u32 s3, $0x1;
	s3 =	sadd.s32 s19, s1  }
0x9a: {  	[timem:s5], [sflag:s20] =	dma.local [hbm:s3], s18  }
0x9b: {  	_ =	swait.ge [sflag:s20], s18  }
0x9c: {  	s2 =	ssub.s32 $0x0, s18;
	[sflag:s20] =	ssyncset.done $0x0  }
0x9d: {  	[sflag:s20] =	ssyncadd.s32 s2;
	_ =	sdelay $0x1  }
0x9e: {  	s21 =	simm.s32 $0x1B8B  }
0x9f: {  	_ =	swait.ge [sflag:s21], $0x1  }
0xa0: {  	[sflag:s21] =	ssyncset.done $0x0  }
0xa1: {  	s23 =	simm.s32 $0x1B8E;
	s22 =	sld [smem:$0x3FFE];
	[sflag:s21] =	ssyncadd.s32 $0xFFFFFFFF  }
0xa2: {  	s24 =	simm.s32 $execute0_lowered;
	[smem:$0x3FD2] =	sst s23  }
0xa3: {  	s3 =	sshll.u32 s24, $0x1;
	_ =	strace $0x80000046;
	[dreg:$0x1] =	wrdreg $0xFFFFFFFF  }
0xa4: {  	s25 =	simm.s32 $_size_execute0_lowered;
	s1 =	sadd.s32 s1, s3;
	[dreg:$0x0] =	wrdreg $0x0  }
0xa5: {  	s3 =	sshll.u32 s25, $0x1;
	[dreg:$0x2] =	wrdreg s1  }
0xa6: {  	[dreg:$0x3] =	wrdreg s3  }
0xa7: {  	[dreg:$0x4] =	wrdreg $0xC0  }
0xa8: {  	_ =	task [dreg:s5], $0x5FFFF  }
0xa9: {  	[dreg:$0x1] =	wrdreg $0xFFFFFFFF  }
0xaa: {  	[dreg:$0x0] =	wrdreg $0x60  }
0xab: {  	[dreg:$0x2] =	wrdreg s0  }
0xac: {  	[dreg:$0x3] =	wrdreg s22  }
0xad: {  	[dreg:$0x4] =	wrdreg $0x9  }
0xae: {  	_ =	task.clear_ibuf [dreg:s5], $0x5FFFF;
	_ =	strace $0x90000046  }
0xaf: {  	s26 =	simm.s32 $0x9;
	_ =	strace $0x80000048  }
0xb0: {  	_ =	swait.ge [sflag:s26], $0x1  }
0xb1: {  	[sflag:s26] =	ssyncadd.s32 $0xFFFFFFFF  }
0xb2: {  	_ =	strace $0x90000048  }
0xb3: {  	_ =	sfence  }
0xb4: {  	s28 =	sld [smem:$0x0];
	_ =	sdelay $0x1  }
0xb5: {  	s29 =	srdreg.scid  }
0xb6: {  	s30 =	sshll.u32 s29, $0xD;
	s31 =	sshrl.u32 s29, $0x2  }
0xb7: {  	s2 =	sand.u32 $0x4000, s30;
	s1 =	sand.u32 $0x1, s29;
	s0 =	sadd.s32 s31, s28  }
0xb8: {  	s1 =	sor.u32 s2, s1;
	s0 =	sshll.u32 s0, $0x11  }
0xb9: {  	s0 =	sor.u32 s0, s1  }
0xba: {  	s0 =	sadd.s32 $0x8F2B, s0  }
0xbb: {  	[sflag:s0] =	ssyncadd.remote.s32 $0x1  }
0xbc: {  	_ =	sfence.sel $0xFFFF  }
0xbd: {  	[dreg:$0x0] =	wrdreg $0xFFFFFFFF;
	(pc) =	sbr.abs _section_cstart, $3  }
0xbe: {  	[dreg:$0x1] =	wrdreg $0xFFFFFFFF  }
0xbf: {  	_ =	task.clear_ibuf [dreg:s5], $0x2FFFF;
	_ =	strace $0x9FFFFFFF  }
0xc0: {  	(tm) =	ssettm $0x7FFFFFFF  }
0xc1: {  	_ =	shalt  }
tec
execute0_lowered:
.L_overlay_start_1:
0x0: {  	(tag) =	ssettag $0x1  }
0x1: {  	s1 =	rddreg [dreg:$0x0]  }
0x2: {  	s0 =	rddreg [dreg:$0x1];
	_ =	strace $0x80000047;
	s3 =	simm.s32 $0x1  }
0x3: {  	v1 =	vimm.s32 $0xFFFFFFFF;
	[sflag:s3] =	ssyncpa.u1 $0x0  }
0x4: {  	[tilespmem:$0x10] =	vst v1  }
0x5: {  	v0 =	vimm.f32 $0.0e+00;
	[tilespmem:$0x20] =	vst v1  }
0x6: {  	[tilespmem:$0x30] =	vst v0  }
0x7: {  	s2 =	simm.s32 $0x2;
	s6 =	simm.s32 $0x7;
	[tilespmem:$0x40] =	vst v0  }
0x8: {  	s26 =	stileid.u32;
	s7 =	simm.s32 $0x8;
	s31 =	simm.s32 $0x9;
	[tilespmem:$0x50] =	vst v0  }
0x9: {  	s14 =	simm.s32 $0x0;
	s15 =	simm.s32 $0x100;
	s18 =	simm.s32 $0x10;
	[tilespmem:$0x60] =	vst v1  }
0xa: {  	s19 =	simm.s32 $0x2500;
	s20 =	simm.s32 $0xF;
	s21 =	simm.s32 $0x50;
	[tilespmem:$0x70] =	vst v1  }
0xb: {  	s22 =	simm.s32 $0x10FF;
	s23 =	simm.s32 $0x20;
	s24 =	simm.s32 $0x30;
	[tilespmem:$0x80] =	vst v1  }
0xc: {  	s25 =	simm.s32 $0x20FF;
	s30 =	simm.s32 $0x0;
	s29 =	simm.s32 $0x0;
	v1 =	vimm.s32 $0x0;
	[tilespmem:$0xB0] =	vst v0  }
.Ltmp0:
0xd: {  	s4 =	sadd.s32 $0x1200, s0;
	s5 =	sadd.s32 $0x1A00, s0;
	[tilespmem:$0x90] =	vst v1;
	(pc) =	sbr.rel .LBB2_1-.Ltmp0, $4  }
0xe: {  	s8 =	sshll.u32 s26, $0xA;
	s10 =	sshll.u32 s26, $0x1;
	[tilespmem:$0xA0] =	vst v1;
	[sflag:s2] =	ssyncpa.u1 $0x0  }
0xf: {  	s12 =	sshllo.u32 s26, $0x1;
	s26 =	simm.s32 $0x80;
	[sflag:s6] =	ssyncpa.u1 $0x0  }
0x10: {  	vm0 =	vmmov $0xffff;
	v2 =	vlaneseq.u32;
	s9 =	sadd.s32 $0x400, s8;
	s11 =	sor.u32 $0x81, s10;
	[sflag:s7] =	ssyncpa.u1 $0x0  }
0x11: {  	vm1 =	vmxor vm1, vm1;
	vm2 =	vmmov $0x1;
	vm3 =	vcmask $0x3F3C;
	s13 =	sor.u32 $0x80, s10;
	s28 =	smov.u32 s8;
	[sflag:s31] =	ssyncpa.u1 $0x0  }
.LBB2_3:
0x12: {  	s0 =	sshrl.u32 s28, $0x3  }
0x13: {  	s2 =	sand.u32 $0x7, s28;
	s0 =	sadd.s32 s4, s0  }
0x14: {  	[tilespmem:s15], [sflag:$0x7] =	stream.linear.gather [hbm4b:s0+s2], $0x400, $0x38;
	[tilespmem:$0x2520] =	vst v63  }
.LBB2_4:
0x15: {  	s0 =	sadd.s32 $0x400, s28  }
0x16: {  	s2 =	smov.u32 s8;
	s29 =	sadd.s32 $0x1, s29;
	p0 =	slt.s32 s0, s9  }
0x17: {  	s2 =	smov.u32 @p0 s0;
	p0 =	sne.s32 s29, $0x4  }
.Ltmp1:
0x18: {  	_ = 	snop;
	(pc) =	sbr.rel @!p0 .LBB2_13-.Ltmp1, $2  }
0x19: {  	_ =	sdelay $0x2  }
0x1a: {  	s30 =	smov.u32 s28;
	s28 =	smov.u32 s2  }
.LBB2_1:
0x1b: {  	p0 =	sgt.s32 s29, $0x1  }
.Ltmp2:
0x1c: {  	_ = 	snop;
	(pc) =	sbr.rel @p0 .LBB2_11-.Ltmp2, $1  }
0x1d: {  	_ =	sdelay $0x3  }
0x1e: {  	p0 =	seq.s32 s29, $0x0  }
.Ltmp3:
0x1f: {  	_ = 	snop;
	(pc) =	sbr.rel @p0 .LBB2_3-.Ltmp3, $1  }
0x20: {  	_ =	sdelay $0x3  }
0x21: {  	_ =	swait.ge [sflag:s6], $0x400  }
0x22: {  	[sflag:s6] =	ssyncset.done $0x0  }
0x23: {  	[sflag:s6] =	ssyncadd.s32 $0xFFFFFC00;
	(ifvalue) =	ssetifvalue $0xFFFFFFFF;
	v3 =	vld.msk [tilespmem:s15+$0x0 ss:$0x1], $0xffff;
	_ =	sdelay $0x4  }
0x24: {  	v4 =	vperm.xlane v3, v1  }
0x25: {  	vm4 =	vlt.u32 v3, $0x80  }
0x26: {  	v3 =	vnsel vm4, $0xFFFFFFFE, v3;
	vm4 =	vlt.u32 v4, $0x80  }
0x27: {  	[tilespmem:$0x70] =	vst v3;
	v3 =	vnsel vm4, $0xFFFFFFFE, v4  }
0x28: {  	s17 =	simm.s32 $0x4F0;
	[tilespmem:$0x80] =	vst v3  }
0x29: {  	v3 =	vld.msk [tilespmem:s17+$0x0 ss:$0x1], $0xffff;
	_ =	sdelay $0x4  }
0x2a: {  	(xrf1) =	vunique.msk.u32 $0xffff, v3;
	_ =	sdelay $0xd  }
0x2b: {  	v4 =	vimm.s32 $0xFFFFFFFF;
	v5, _, _ =	vpop (xrf1)  }
0x2c: {  	vm5 =	vne.s32 v3, v4;
	vm4 =	veq.s32 v5, v2  }
0x2d: {  	vm6 =	vlt.u32 v3, $0x80;
	vm4 =	vmand vm5, vm4  }
0x2e: {  	vm4 =	vmand vm6, vm4  }
0x2f: {  	v4 =	vnsel vm4, $0xFFFFFFFF, v3;
	_ =	sdelay $0x3  }
0x30: {  	s0 =	simm.s32 $0x10F0;
	(ifvalue) =	ssetifvalue $0xFFFFFFFF  }
0x31: {  	v3 =	vperm.xlane v3, v1;
	[tilespmem:s0], [sflag:$0x8] =	stream.indirect_vreg.gather [hbm4b:s1+s14], $0x1, v4, vm0, $0x4038;
	v4 =	vnsel vm6, $0xFFFFFFFE, v4;
	[tilespmem:$0x2520] =	vst v63  }
0x32: {  	s2 =	simm.s32 $0x0;
	s16 =	simm.s32 $0x4E0;
	[tilespmem:s17+$0x0] =	vst v4  }
.LBB2_6:
0x33: {  	v4 =	vld.msk [tilespmem:s16+$0x0 ss:$0x1], $0xffff;
	s2 =	sadd.s32 $0x10, s2;
	v5 =	vmov v3;
	s17 =	smov.u32 s16  }
0x34: {  	p0 =	slt.u32 s2, $0x3F0;
	_ =	sdelay $0x4  }
0x35: {  	v3 =	vperm.xlane v4, v1;
	(xrf1) =	vunique.msk.u32 $0xffff, v4;
	_ =	sdelay $0xd  }
0x36: {  	v6, _, _ =	vpop (xrf1)  }
0x37: {  	vm5 =	vne.s32 v4, v5;
	vm4 =	veq.s32 v6, v2  }
0x38: {  	vm6 =	vlt.u32 v4, $0x80;
	vm4 =	vmand vm5, vm4  }
0x39: {  	vm4 =	vmand vm6, vm4  }
0x3a: {  	v4 =	vnsel vm4, $0xFFFFFFFF, v4  }
.Ltmp4:
0x3b: {  	v5 =	vnsel vm6, $0xFFFFFFFE, v4;
	(pc) =	sbr.rel @p0 .LBB2_6-.Ltmp4, $3  }
0x3c: {  	_ =	sdelay $0x1  }
0x3d: {  	s16 =	sadd.s32 $0xFFFFFFF0, s16;
	s0 =	sadd.s32 $0xFFFFFFF0, s0;
	(ifvalue) =	ssetifvalue $0xFFFFFFFF  }
0x3e: {  	[tilespmem:s0], [sflag:$0x8] =	stream.indirect_vreg.gather [hbm4b:s1+s14], $0x1, v4, vm0, $0x4038;
	[tilespmem:s17+$0x0] =	vst v5  }
.Ltmp5:
0x3f: {  	(pc) =	sbr.rel .LBB2_4-.Ltmp5, $4  }
0x40: {  	_ = 	snop  }
0x41: {  	s0 =	sshrl.u32 s30, $0x3  }
0x42: {  	s2 =	simm.s32 $0x1500;
	s0 =	sadd.s32 s5, s0  }
0x43: {  	[tilespmem:s2], [sflag:$0x8] =	stream.linear.gather [hbm:s0], $0x400, $0x38;
	[tilespmem:$0x2520] =	vst v63  }
.LBB2_11:
0x44: {  	p0 =	seq.s32 s29, $0x2  }
.Ltmp6:
0x45: {  	_ = 	snop;
	(pc) =	sbr.rel @!p0 .LBB2_12-.Ltmp6, $1  }
0x46: {  	_ =	sdelay $0x3  }
0x47: {  	_ =	swait.ge [sflag:s7], $0x800  }
0x48: {  	[sflag:s7] =	ssyncset.done $0x0  }
0x49: {  	s0 =	simm.s32 $0x4FF;
	[sflag:s7] =	ssyncadd.s32 $0xFFFFF800  }
0x4a: {  	[spmem:s11] =	stream.linear.scatter [tilespmem:s0], [sflag:$0x1], $0x1, $0x38;
	[tilespmem:$0x2520] =	vst v63  }
0x4b: {  	_ =	swait.ge [sflag:s3], $0x1  }
0x4c: {  	[sflag:s3] =	ssyncset.done $0x0  }
0x4d: {  	[sflag:s3] =	ssyncadd.s32 $0xFFFFFFFF  }
0x4e: {  	v4 =	vld [tilespmem:$0x10]  }
0x4f: {  	v5 =	vld [tilespmem:$0x70]  }
0x50: {  	v3 =	vld [tilespmem:$0x80];
	_ =	sdelay $0x2  }
0x51: {  	(v2sf) =	vpush v4, $0x0  }
0x52: {  	(v2sf) =	vpush v5, $0x0  }
0x53: {  	(v2sf) =	vpush v3, $0x0;
	_ =	sdelay $0xc  }
0x54: {  	s16 =	spop (v2sf)  }
0x55: {  	s2 =	spop (v2sf)  }
0x56: {  	s30 =	spop (v2sf)  }
0x57: {  	p0 =	seq.s32 s16, s2;
	p1 =	seq.s32 s30, s16  }
0x58: {  	p1 =	por p0, p1  }
0x59: {  	v4 =	vpsel p1, $0xFFFFFFFF, v4  }
0x5a: {  	[tilespmem:s18+$0x0] =	vst.msk $0x1, v4  }
0x5b: {  	v4 =	vld [tilespmem:$0x30]  }
0x5c: {  	v5 =	vld [tilespmem:$0x1500]  }
0x5d: {  	v6 =	vld [tilespmem:$0x40];
	_ =	sdelay $0x3  }
0x5e: {  	vm4 =	vmmov vm1;
	v5 =	vadd.f32 v5, v4  }
0x5f: {  	vm5 =	vmmov vm2;
	s31 =	simm.s32 $0x1500;
	vm4 =	vmmov @p0 vm2;
	v4 =	vadd.f32 v6, v4  }
0x60: {  	vm5 =	vmmov @p1 vm1;
	[tilespmem:s31+$0x0] =	vst.msk vm4, v5  }
0x61: {  	[tilespmem:s19+$0x0] =	vst.msk vm5, v4  }
0x62: {  	v4 =	vld [tilespmem:$0x10F0];
	_ =	sdelay $0x3  }
0x63: {  	v5 =	vimm.f32 $0.0e+00  }
0x64: {  	v4 =	vshift.insert v4, v5, s20;
	_ =	sdelay $0x1  }
0x65: {  	[tilespmem:s21+$0x0] =	vst.msk $0x1, v4  }
0x66: {  	[tilespmem:s22+$0x0] =	vst.msk $0x1, v5  }
0x67: {  	v4 =	vld [tilespmem:$0x4F0];
	_ =	sdelay $0x4  }
0x68: {  	v4 =	vshift.insert v4, v1, s20;
	_ =	sdelay $0x1  }
0x69: {  	[tilespmem:s23+$0x0] =	vst.msk $0x1, v4  }
0x6a: {  	s17 =	simm.s32 $0x100;
	v6 =	vld [tilespmem:s31+$0x0]  }
0x6b: {  	v7 =	vld [tilespmem:s17+$0x0];
	_ =	sdelay $0x3  }
0x6c: {  	v5 =	vadd.f32 v6, v5  }
0x6d: {  	vm4 =	vne.s32 v7, $0xFFFFFFFF  }
0x6e: {  	(xrf2) =	vadd.seg.scan.f32 vm4, v5;
	_ =	sdelay $0x3  }
0x6f: {  	s0 =	simm.s32 $0xD00;
	v5 =	vperm.xlane v4, v1  }
0x70: {  	v6 =	vld [tilespmem:s0+$0x0]  }
0x71: {  	vm5 =	veq.s32 v7, v3;
	vm6 =	veq.s32 v7, v5  }
0x72: {  	vm7 =	vgt.u32 v7, $0xFFFFFFFD;
	vm6 =	vmor vm6, vm5  }
0x73: {  	vm6 =	vmor vm6, vm7  }
0x74: {  	v9 =	vld [tilespmem:$0xA0];
	v7 =	vsel vm6, $0xFFFFFFFF, v7  }
0x75: {  	v10 =	vld [tilespmem:$0x90];
	v6 =	vsel vm5, $0x0, v6;
	v8, _, _ =	vpop (xrf2)  }
0x76: {  	v6 =	vadd.f32 v8, v6  }
0x77: {  	s2 =	simm.s32 $0x1D00  }
0x78: {  	vm4 =	vmand vm4, vm3;
	[tilespmem:s2+$0x0] =	vst v6;
	(ifvalue) =	ssetifvalue $0xFFFFFFFF  }
0x79: {  	vm6 =	veq.s32 v9, $0x1;
	[hbm4b:s1+s14] =	stream.indirect_vreg.scatter [tilespmem:s2], [sflag:$0x2], $0x1, v7, vm0, $0x4038;
	v7 =	vsel vm4, $0x0, v8;
	[tilespmem:$0x2520] =	vst v63  }
0x7a: {  	s16 =	simm.s32 $0x0;
	s17 =	simm.s32 $0x110;
	vm4 =	vmor vm6, vm5;
	v6 =	vsel vm5, v8, v10;
	v7 =	vshift.insert v7, v0, s20  }
.LBB2_9:
0x7b: {  	v8 =	vld [tilespmem:s17+$0x0];
	s31 =	sadd.s32 $0x10, s31  }
0x7c: {  	s0 =	sadd.s32 $0x10, s0;
	v9 =	vld [tilespmem:s31+$0x0]  }
0x7d: {  	s16 =	sadd.s32 $0x10, s16;
	v10 =	vld [tilespmem:s0+$0x0]  }
0x7e: {  	p0 =	slt.u32 s16, $0x3F0;
	_ =	sdelay $0x2  }
0x7f: {  	v7 =	vadd.f32 v9, v7  }
0x80: {  	vm5 =	vne.s32 v8, $0xFFFFFFFF  }
0x81: {  	vm6 =	vmand vm5, vm3;
	(xrf2) =	vadd.seg.scan.f32 vm5, v7;
	_ =	sdelay $0x5  }
0x82: {  	vm7 =	veq.s32 v8, v5;
	vm5 =	veq.s32 v8, v3  }
0x83: {  	vm8 =	vgt.u32 v8, $0xFFFFFFFD;
	vm4 =	vmor vm4, vm5;
	vm7 =	vmor vm7, vm5  }
0x84: {  	vm7 =	vmor vm7, vm8  }
0x85: {  	v8 =	vsel vm7, $0xFFFFFFFF, v8  }
.Ltmp7:
0x86: {  	v7 =	vsel vm5, $0x0, v10;
	v9, _, _ =	vpop (xrf2);
	(pc) =	sbr.rel @p0 .LBB2_9-.Ltmp7, $4  }
0x87: {  	v6 =	vsel vm5, v9, v6;
	v10 =	vadd.f32 v9, v7;
	v7 =	vsel vm6, $0x0, v9  }
0x88: {  	s2 =	sadd.s32 $0x10, s2;
	v7 =	vshift.insert v7, v0, s20  }
0x89: {  	s17 =	sadd.s32 $0x10, s17;
	[tilespmem:s2+$0x0] =	vst v10;
	(ifvalue) =	ssetifvalue $0xFFFFFFFF  }
0x8a: {  	[hbm4b:s1+s14] =	stream.indirect_vreg.scatter [tilespmem:s2], [sflag:$0x2], $0x1, v8, vm0, $0x4038;
	[tilespmem:$0x2520] =	vst v63  }
0x8b: {  	v3 =	vld [tilespmem:$0x20F0];
	_ =	sdelay $0x4  }
0x8c: {  	v3 =	vshift.insert v3, v0, s20;
	_ =	sdelay $0x1  }
0x8d: {  	[tilespmem:s24+$0x0] =	vst.msk $0x1, v3  }
0x8e: {  	v3 =	vsel vm4, $0x1, v1;
	[tilespmem:$0x90] =	vst v6  }
0x8f: {  	[tilespmem:$0xA0] =	vst v3  }
0x90: {  	[spmem:s12] =	stream.linear.scatter [tilespmem:s25], [sflag:$0x1], $0x1, $0x38;
	[tilespmem:$0x2520] =	vst v63  }
0x91: {  	v3 =	vmctz.xlane vm4;
	_ =	swait.ge [sflag:s3], $0x1  }
0x92: {  	(v2sf) =	vpush v4, $0x0  }
0x93: {  	(v2sf) =	vpush v3, $0x0;
	_ =	sdelay $0xd  }
0x94: {  	s0 =	spop (v2sf)  }
0x95: {  	s2 =	spop (v2sf)  }
0x96: {  	[sflag:s3] =	ssyncset.done $0x0;
	p0 =	sne.s32 s30, s0;
	p1 =	slt.s32 s2, $0xF  }
0x97: {  	[sflag:s3] =	ssyncadd.s32 $0xFFFFFFFF;
	v3 =	vimm.s32 @!p0 $0xFFFFFFFF;
	s2 =	simm.s32 @!p1 $0xF  }
0x98: {  	[tilespmem:$0x80] =	vst @!p0 v3;
	s31 =	sadd.s32 $0x90, s2  }
0x99: {  	[spmem:s10] =	stream.linear.scatter [tilespmem:s31], [sflag:$0x1], $0x1, $0x38;
	[tilespmem:$0x2520] =	vst v63  }
0x9a: {  	_ =	swait.ge [sflag:s3], $0x1  }
0x9b: {  	[sflag:s3] =	ssyncset.done $0x0  }
0x9c: {  	[sflag:s3] =	ssyncadd.s32 $0xFFFFFFFF  }
0x9d: {  	[spmem:s13] =	stream.linear.scatter [tilespmem:s26], [sflag:$0x1], $0x1, $0x38;
	[tilespmem:$0x2520] =	vst v63  }
0x9e: {  	_ =	swait.ge [sflag:s3], $0x1  }
0x9f: {  	[sflag:s3] =	ssyncset.done $0x0  }
0xa0: {  	[sflag:s3] =	ssyncadd.s32 $0xFFFFFFFF;
	(ifvalue) =	ssetifvalue $0xFFFFFFFF;
	v3 =	vld [tilespmem:$0x10];
	_ =	sdelay $0x3  }
.Ltmp8:
0xa1: {  	_ = 	snop;
	(pc) =	sbr.rel .LBB2_4-.Ltmp8, $3  }
0xa2: {  	_ =	sdelay $0x1  }
0xa3: {  	(ifvalue) =	ssetifvalue $0xFFFFFFFF  }
0xa4: {  	[hbm4b:s1+s14] =	stream.indirect_vreg.scatter [tilespmem:s19], [sflag:$0x9], $0x1, v3, vm0, $0x4038;
	[tilespmem:$0x2520] =	vst v63  }
.LBB2_12:
0xa5: {  	s0 =	simm.s32 $0x2  }
0xa6: {  	_ =	swait.ge [sflag:s0], $0x400  }
0xa7: {  	[sflag:s0] =	ssyncset.done $0x0  }
0xa8: {  	s31 =	simm.s32 $0x9;
	[sflag:s0] =	ssyncadd.s32 $0xFFFFFC00  }
0xa9: {  	_ =	swait.ge [sflag:s31], $0x10  }
0xaa: {  	[sflag:s31] =	ssyncset.done $0x0  }
0xab: {  	[sflag:s31] =	ssyncadd.s32 $0xFFFFFFF0  }
.LBB2_13:
0xac: {  	_ =	sfence.sel $0x180000  }
0xad: {  	s0 =	simm.s32 $0x7;
	[bflag:$0x0] =	sbarrier.arrive $0xFFFF  }
0xae: {  	s26 =	simm.s32 $0x8;
	[sflag:s0] =	ssyncpa.u1 $0x1  }
0xaf: {  	s28 =	simm.s32 $0x9;
	[sflag:s26] =	ssyncpa.u1 $0x1  }
0xb0: {  	[sflag:s28] =	ssyncpa.u1 $0x1  }
0xb1: {  	_ =	sfence.stream.spmem  }
0xb2: {  	s29 =	simm.s32 $0x3;
	[bflag:$0x0] =	sbarrier.arrive $0xFFFF  }
0xb3: {  	s30 =	simm.s32 $0x4;
	[sflag:s29] =	ssyncpa.u1 $0x1  }
0xb4: {  	s31 =	simm.s32 $0x3C;
	s2 =	stileid.u32;
	[sflag:s30] =	ssyncpa.u1 $0x1  }
0xb5: {  	p0 =	sne.s32 s2, $0x0;
	[sflag:s31] =	ssyncpa.u1 $0x1  }
0xb6: {  	s0 =	simm.s32 @p0 $0x1;
	_ =	sfence @p0  }
0xb7: {  	[sflag:s0] =	ssyncpa.u1 @p0 $0x1;
	s0 =	simm.s32 @p0 $0x2  }
0xb8: {  	[sflag:s0] =	ssyncpa.u1 @p0 $0x1  }
0xb9: {  	_ =	strace @p0 $0x90000047  }
0xba: {  	[bflag:$0x2] =	sbarrier.arrive @p0 $0xFFFF  }
0xbb: {  	_ =	shalt @p0  }
.LBB2_14:
0xbc: {  	_ =	sfence.stream.spmem;
	s0 =	simm.s32 $0x5  }
0xbd: {  	s2 =	simm.s32 $0x80;
	s3 =	simm.s32 $0xC0;
	[sflag:s0] =	ssyncpa.u1 $0x0  }
0xbe: {  	[tilespmem:s3], [sflag:$0x5] =	stream.linear.gather [spmem:s2], $0x20, $0x38;
	[tilespmem:$0x2520] =	vst v63  }
0xbf: {  	s2 =	simm.s32 $0x0;
	s3 =	simm.s32 $0xE0  }
0xc0: {  	[tilespmem:s3], [sflag:$0x5] =	stream.linear.gather [spmem:s2], $0x20, $0x38;
	[tilespmem:$0x2520] =	vst v63  }
.Ltmp9:
0xc1: {  	_ = 	snop;
	(pc) =	sbr.rel .LBB2_15-.Ltmp9, $4  }
0xc2: {  	_ =	swait.ge [sflag:s0], $0x40  }
0xc3: {  	[sflag:s0] =	ssyncset.done $0x0  }
0xc4: {  	s31 =	simm.s32 $0x6;
	[sflag:s0] =	ssyncadd.s32 $0xFFFFFFC0  }
0xc5: {  	s4 =	simm.s32 $0x0;
	[sflag:s31] =	ssyncpa.u1 $0x0  }
.LBB2_20:
0xc6: {  	p0 =	sgt.u32 s0, $0x7F  }
0xc7: {  	s5 =	sshrl.u32 @!p0 s0, $0x3  }
0xc8: {  	s0 =	sand.u32 @!p0 $0x7, s0;
	s6 =	simm.s32 @!p0 $0xB0;
	s5 =	sadd.s32 @!p0 s1, s5  }
0xc9: {  	[tilespmem:s6], [sflag:$0x6] =	stream.linear.gather @!p0 [hbm4b:s5+s0], $0x1, $0x38;
	[tilespmem:$0x2520] =	vst v63  }
0xca: {  	s0 =	simm.s32 @!p0 $0x6  }
0xcb: {  	_ =	swait.ge @!p0 [sflag:s0], $0x1  }
0xcc: {  	[sflag:s0] =	ssyncset.done @!p0 $0x0  }
0xcd: {  	[sflag:s0] =	ssyncadd.s32 @!p0 $0xFFFFFFFF  }
0xce: {  	v2 =	vmov @!p0 s4;
	v1 =	vld.msk @!p0 [tilespmem:$0xB0], $0x1;
	_ =	sdelay $0x3  }
0xcf: {  	s0 =	simm.s32 @!p0 $0xE0  }
0xd0: {  	[tilespmem:v2+s0+$0x0], v1 =	vst.idx.ret.add.f32.msk @!p0 $0x1, v1  }
0xd1: {  	[tilespmem:s2+$0xC0] =	vst.msk $0x1, v0  }
0xd2: {  	v0 =	vld.msk [tilespmem:s4+$0xE0], $0x1;
	_ =	sdelay $0x4  }
0xd3: {  	[tilespmem:s2+$0xE0] =	vst.msk $0x1, v0;
	s2 =	sadd.s32 $0x1, s2  }
.LBB2_22:
0xd4: {  	s4 =	sadd.s32 $0x1, s4  }
0xd5: {  	p0 =	sne.s32 s4, $0x20  }
.Ltmp10:
0xd6: {  	_ = 	snop;
	(pc) =	sbr.rel @!p0 .LBB2_23-.Ltmp10, $1  }
0xd7: {  	_ =	sdelay $0x3  }
.LBB2_15:
0xd8: {  	v0 =	vld.msk [tilespmem:s4+$0xC0], $0x1;
	_ =	sdelay $0x4  }
0xd9: {  	(v2sf) =	vpush v0, $0x0;
	_ =	sdelay $0xe  }
0xda: {  	s0 =	spop (v2sf)  }
0xdb: {  	p0 =	seq.s32 s0, $0xFFFFFFFF  }
.Ltmp11:
0xdc: {  	_ = 	snop;
	(pc) =	sbr.rel @p0 .LBB2_22-.Ltmp11, $1  }
0xdd: {  	_ =	sdelay $0x3  }
0xde: {  	p0 =	slt.s32 s2, $0x1  }
.Ltmp12:
0xdf: {  	_ = 	snop;
	(pc) =	sbr.rel @p0 .LBB2_20-.Ltmp12, $1  }
0xe0: {  	_ =	sdelay $0x3  }
0xe1: {  	s5 =	simm.s32 $0xC0;
	p0 =	por $0x0, $0x0  }
0xe2: {  	v1 =	vld.msk @!p0 [tilespmem:s5+$0x0], $0x1;
	_ =	sdelay $0x4  }
0xe3: {  	(v2sf) =	vpush @!p0 v1, $0x0;
	_ =	sdelay $0xd  }
0xe4: {  	p2 =	sne.s32 s2, $0x1  }
.Ltmp13:
0xe5: {  	s6 =	spop @!p0 (v2sf);
	(pc) =	sbr.rel @!p2 .LBB2_19-.Ltmp13, $4  }
0xe6: {  	p1 =	seq.s32 @!p0 s0, s6  }
0xe7: {  	s6 =	simm.s32 $0x0;
	p1 =	por !p1, p0  }
0xe8: {  	s8 =	simm.s32 $0xFFFFFFFF;
	s6 =	simm.s32 @p1 $0xFFFFFFFF  }
0xe9: {  	s7 =	simm.s32 $0x1;
	s6 =	smov.u32 @p0 s8  }
.LBB2_18:
0xea: {  	s8 =	smov.u32 s6;
	p0 =	sne.s32 s6, $0xFFFFFFFF  }
0xeb: {  	s5 =	sadd.s32 $0x1, s5;
	s6 =	smov.u32 s7;
	s7 =	sadd.s32 $0x1, s7  }
0xec: {  	p1 =	sne.s32 s2, s7;
	v1 =	vld.msk @!p0 [tilespmem:s5+$0x0], $0x1;
	_ =	sdelay $0x4  }
0xed: {  	(v2sf) =	vpush @!p0 v1, $0x0;
	_ =	sdelay $0xe  }
.Ltmp14:
0xee: {  	s9 =	spop @!p0 (v2sf);
	(pc) =	sbr.rel @p1 .LBB2_18-.Ltmp14, $4  }
0xef: {  	p2 =	seq.s32 @!p0 s0, s9  }
0xf0: {  	p2 =	por !p2, p0  }
0xf1: {  	s6 =	simm.s32 @p2 $0xFFFFFFFF  }
0xf2: {  	s6 =	smov.u32 @p0 s8  }
.LBB2_19:
0xf3: {  	p0 =	sne.s32 s6, $0xFFFFFFFF  }
.Ltmp15:
0xf4: {  	_ = 	snop;
	(pc) =	sbr.rel @!p0 .LBB2_20-.Ltmp15, $1  }
0xf5: {  	_ =	sdelay $0x3  }
0xf6: {  	v0 =	vld.msk [tilespmem:s4+$0xE0], $0x1;
	v1 =	vmov s6  }
.Ltmp16:
0xf7: {  	_ = 	snop;
	(pc) =	sbr.rel .LBB2_22-.Ltmp16, $2  }
0xf8: {  	_ =	sdelay $0x2  }
0xf9: {  	[tilespmem:v1+s3+$0x0], v0 =	vst.idx.ret.add.f32.msk $0x1, v0  }
.LBB2_23:
0xfa: {  	p0 =	slt.s32 s2, $0x1  }
.Ltmp17:
0xfb: {  	_ = 	snop;
	(pc) =	sbr.rel @p0 .LBB2_27-.Ltmp17, $3  }
0xfc: {  	_ =	sdelay $0x1  }
0xfd: {  	s0 =	simm.s32 $0x6  }
0xfe: {  	[sflag:s0] =	ssyncpa.u1 $0x1;
	s0 =	simm.s32 $0x0  }
0xff: {  	s3 =	simm.s32 $0xC0  }
0x100: {  	v0 =	vld.msk [tilespmem:s3+$0x0], $0x1;
	_ =	sdelay $0x4  }
0x101: {  	(v2sf) =	vpush v0, $0x0;
	_ =	sdelay $0xe  }
0x102: {  	s2 =	sadd.s32 $0xFFFFFFFF, s2;
	s4 =	spop (v2sf)  }
0x103: {  	p1 =	sne.s32 s2, $0x0;
	p0 =	sgt.u32 s4, $0x7F  }
.Ltmp18:
0x104: {  	s5 =	sshrl.u32 @!p0 s4, $0x3;
	(pc) =	sbr.rel @!p1 .LBB2_26-.Ltmp18, $4  }
0x105: {  	s3 =	simm.s32 $0xE0;
	s4 =	sand.u32 @!p0 $0x7, s4;
	s5 =	sadd.s32 @!p0 s1, s5  }
0x106: {  	[hbm4b:s5+s4] =	stream.linear.scatter @!p0 [tilespmem:s3], [sflag:$0x5], $0x1, $0x38;
	[tilespmem:$0x2520] =	vst v63  }
0x107: {  	s5 =	simm.s32 $0x0  }
0x108: {  	s4 =	simm.s32 $0xC1;
	s5 =	simm.s32 @!p0 $0x4  }
.LBB2_25:
0x109: {  	v0 =	vld.msk [tilespmem:s4+$0x0], $0x1;
	s2 =	sadd.s32 $0xFFFFFFFF, s2;
	s0 =	sadd.s32 s0, s5  }
0x10a: {  	p0 =	sne.s32 s2, $0x0;
	_ =	sdelay $0x3  }
0x10b: {  	(v2sf) =	vpush v0, $0x0;
	_ =	sdelay $0xe  }
.Ltmp19:
0x10c: {  	s6 =	spop (v2sf);
	(pc) =	sbr.rel @p0 .LBB2_25-.Ltmp19, $4  }
0x10d: {  	s5 =	simm.s32 $0x0;
	p1 =	sgt.u32 s6, $0x7F  }
0x10e: {  	s3 =	sadd.s32 $0x1, s3;
	s5 =	simm.s32 @!p1 $0x4;
	s7 =	sshrl.u32 @!p1 s6, $0x3  }
0x10f: {  	s4 =	sadd.s32 $0x1, s4;
	s6 =	sand.u32 @!p1 $0x7, s6;
	s7 =	sadd.s32 @!p1 s1, s7  }
0x110: {  	[hbm4b:s7+s6] =	stream.linear.scatter @!p1 [tilespmem:s3], [sflag:$0x5], $0x1, $0x38;
	[tilespmem:$0x2520] =	vst v63  }
.LBB2_26:
0x111: {  	s0 =	sadd.s32 s0, s5  }
0x112: {  	s0 =	sshrl.u32 s0, $0x2  }
.LBB2_27:
0x113: {  	s1 =	simm.s32 $0x5  }
0x114: {  	_ =	swait.ge [sflag:s1], s0  }
0x115: {  	s28 =	ssub.s32 $0x0, s0;
	[sflag:s1] =	ssyncset.done $0x0  }
0x116: {  	[sflag:s1] =	ssyncadd.s32 s28  }
0x117: {  	[sflag:s1] =	ssyncpa.u1 $0x1  }
0x118: {  	s29 =	simm.s32 $0x1;
	_ =	sfence  }
0x119: {  	s30 =	simm.s32 $0x2;
	[sflag:s29] =	ssyncpa.u1 $0x1  }
0x11a: {  	[sflag:s30] =	ssyncpa.u1 $0x1  }
0x11b: {  	_ =	strace $0x90000047  }
0x11c: {  	[bflag:$0x2] =	sbarrier.arrive $0xFFFF  }
0x11d: {  	s31 =	rddreg [dreg:$0x2]  }
0x11e: {  	s0 =	sadd.s32 $0x100000, s31  }
0x11f: {  	[sflag:s0] =	ssyncadd.tile.s32 $0x1;
	_ =	shalt  }
.Lfunc_end2:
_tile_overlayer_lowered:
.L_overlay_start_2:
0x120: {  	(tag) =	ssettag $0x2  }
0x121: {  	s0 =	rddreg [dreg:$0x0];
	s2 =	stileid.u32  }
0x122: {  	s1 =	rddreg [dreg:$0x1];
	p0 =	sne.s32 s2, $0x0  }
0x123: {  	s3 =	rddreg [dreg:$0x2];
	[bflag:$0x3] =	sbarrier.arrive $0xFFFF;
	s2 =	simm.s32 @!p0 $0x1C01  }
0x124: {  	[timem:s3], [sflag:s2] =	dma.local @!p0 [hbm:s0], s1  }
0x125: {  	s0 =	simm.s32 @!p0 $0x1  }
0x126: {  	_ =	swait.ge @!p0 [sflag:s0], s1  }
0x127: {  	s1 =	ssub.s32 @!p0 $0x0, s1;
	[sflag:s0] =	ssyncset.done @!p0 $0x0  }
0x128: {  	[sflag:s0] =	ssyncadd.s32 @!p0 s1  }
0x129: {  	[bflag:$0x3] =	sbarrier.arrive $0xFFFF  }
0x12a: {  	_ =	shalt  }

</sc_bundles>
